<compile_context>
chip_gen: v7x
topology: tpu7x:2x2x1
jax: 0.10.2.dev20260603
libtpu: 0.0.44.dev20260713+nightly
codegen_flags: <defaults>
</compile_context>

<pallas_src>
import functools

import jax
import jax.numpy as jnp
from jax.experimental import pallas as pl
from jax.experimental.pallas import tpu as pltpu

B, D, H, W = 16, 64, 512, 512
WC = W * 5
HBLK = 256

BAR_WIDTH = W // (3 * D + 2)
GAP_WIDTH = (W - D * BAR_WIDTH) // (D + 1)
BEG = ((W - D * BAR_WIDTH) - GAP_WIDTH * (D + 1)) // 2
BAR_START0 = BEG + GAP_WIDTH
BAR_STRIDE = BAR_WIDTH + GAP_WIDTH
ROWS_PER_VALUE = H // D


def _tile_kernel(inputs_ref, inputs_t_ref, coords_ref, coords_t_ref,
                 stamp_ref, out_ref, stamp_scr_ref):
    h = pl.program_id(0)
    b = pl.program_id(1)
    h0 = h * HBLK

    @pl.when(b == 0)
    def _():
        jg = jax.lax.broadcasted_iota(jnp.int32, (W, WC), 1)
        wg = jax.lax.broadcasted_iota(jnp.int32, (W, WC), 0)
        g0 = (jg == 5 * wg).astype(jnp.float32)
        stamp_scr_ref[...] = jax.lax.dot(
            stamp_ref[...], g0, precision=jax.lax.Precision.DEFAULT)

    inp_row = inputs_ref[0]
    inp_col = inputs_t_ref[0]
    row_c = coords_t_ref[0:1, :]
    col_c = coords_ref[:, 1:2]

    f32 = jnp.float32

    hid = jax.lax.broadcasted_iota(jnp.int32, (HBLK, D), 0) + h0
    did = jax.lax.broadcasted_iota(jnp.int32, (HBLK, D), 1)

    r_t = (hid == row_c).astype(f32) * inp_row
    a_t = ((hid // ROWS_PER_VALUE) == did).astype(f32)

    dist = jnp.abs(inp_col - inp_row)
    mn = jnp.min(dist)
    mx = jnp.max(dist)
    norm = (dist - mn) / (mx - mn)
    norm_rows = jax.lax.dot(a_t, norm,
                            precision=jax.lax.Precision.DEFAULT)

    bh = jnp.clip(jnp.round(inp_row * H), 0.0, float(H)).astype(jnp.int32)
    rowmask = (hid < bh).astype(f32)

    j = jax.lax.broadcasted_iota(jnp.int32, (D, WC), 1)
    d2 = jax.lax.broadcasted_iota(jnp.int32, (D, WC), 0)
    w = j // 5
    c = j - 5 * w

    c1 = ((c == 1) & (w == col_c)).astype(f32)
    m2 = (c == 2).astype(f32) * inp_col
    u3 = ((c == 3) & ((w // ROWS_PER_VALUE) == d2)).astype(f32)
    bar_off = w - (BAR_START0 + BAR_STRIDE * d2)
    c4 = ((c == 4) & (bar_off >= 0) & (bar_off < BAR_WIDTH)).astype(f32)

    lhs = jnp.concatenate([r_t, a_t, norm_rows, rowmask], axis=1)
    rhs = jnp.concatenate([c1, m2, u3, c4], axis=0)
    acc = jax.lax.dot(lhs, rhs, precision=jax.lax.Precision.DEFAULT)

    out_ref[0] = stamp_scr_ref[...] + acc


@jax.jit
def kernel(inputs, coords, stamp_shape_matrix):
    stamp2d = stamp_shape_matrix.reshape(H, W)
    inputs_r = inputs[:, None, :]
    inputs_c = inputs[:, :, None]
    coords_t = coords.T

    out = pl.pallas_call(
        _tile_kernel,
        grid=(H // HBLK, B),
        in_specs=[
            pl.BlockSpec((1, 1, D), lambda h, b: (b, 0, 0)),
            pl.BlockSpec((1, D, 1), lambda h, b: (b, 0, 0)),
            pl.BlockSpec((D, 2), lambda h, b: (0, 0)),
            pl.BlockSpec((2, D), lambda h, b: (0, 0)),
            pl.BlockSpec((HBLK, W), lambda h, b: (h, 0)),
        ],
        out_specs=pl.BlockSpec((1, HBLK, WC), lambda h, b: (b, h, 0)),
        out_shape=jax.ShapeDtypeStruct((B, H, WC), jnp.float32),
        scratch_shapes=[pltpu.VMEM((HBLK, WC), jnp.float32)],
    )(inputs_r, inputs_c, coords, coords_t, stamp2d)

    return out.reshape(B, H, W, 5)

# --- scband reference (transcript-rebuilt; emitter-appended) ---
"""Pipeline reference for scband-deep-insight-encoding-64493228916806 (READ-ONLY COPY).

The authoritative reference and input builder live on the scoring server;
editing this copy changes nothing except your own understanding.
"""

import jax, jax.numpy as jnp
import numpy as np

B, D, H, W = 16, 64, 512, 512

def setup_inputs(seed: int = 0):
    key = jax.random.key(seed)
    k1, k2, k3 = jax.random.split(key, 3)
    inputs = jax.random.uniform(k1, (B, D), dtype=jnp.float32)
    coords = jax.random.randint(k2, (D, 2), 0, H, dtype=jnp.int32)
    stamp_shape_matrix = jax.random.uniform(k3, (H, W, 1), dtype=jnp.float32)
    return {"inputs": inputs, "coords": coords, "stamp_shape_matrix": stamp_shape_matrix}

def _forward(inputs, stamp, coords):
    Bv, Dv = inputs.shape
    Hv, Wv = stamp.shape[0], stamp.shape[1]
    base_r, extra_r = Hv // Dv, Hv % Dv
    rows_per_value = np.full(Dv, base_r, dtype=np.int64)
    rows_per_value[:extra_r] += 1
    base_c, extra_c = Wv // Dv, Wv % Dv
    cols_per_value = np.full(Dv, base_c, dtype=np.int64)
    cols_per_value[:extra_c] += 1
    bar_width = Wv // (3 * Dv + 2)
    total_gap = Wv - Dv * bar_width
    gap_width = total_gap // (Dv + 1)
    extra = total_gap - gap_width * (Dv + 1)
    beg = extra // 2
    # deepinsight channel: scatter-add inputs onto pixel coords (tf.scatter_nd sums duplicates)
    di = jnp.zeros((Bv, Hv, Wv), inputs.dtype).at[
        jnp.arange(Bv)[:, None], coords[:, 0][None, :], coords[:, 1][None, :]
    ].add(inputs)[..., None]
    # row-wise copy channel
    rep_idx = np.repeat(np.arange(Dv), rows_per_value)
    rwc = jnp.broadcast_to(inputs[:, rep_idx][:, :, None], (Bv, Hv, Wv))[..., None]
    # normalized pairwise-distance channel
    dist = jnp.abs(inputs[:, :, None] - inputs[:, None, :])
    mn = jnp.min(dist, axis=(1, 2), keepdims=True)
    mx = jnp.max(dist, axis=(1, 2), keepdims=True)
    norm = (dist - mn) / (mx - mn)
    nd = jnp.repeat(jnp.repeat(norm, rows_per_value, axis=1), cols_per_value, axis=2)[..., None]
    # equidistant bar-graph channel
    col_idx = jnp.arange(Wv)
    hgrid = jnp.arange(Hv)[None, :, None]
    bar_plot = jnp.zeros((Bv, Hv, Wv), inputs.dtype)
    for i in range(Dv):
        start = beg + i * (bar_width + gap_width) + gap_width
        end = start + bar_width
        bh = jnp.clip(jax.lax.stop_gradient(jnp.round(inputs[:, i:i + 1] * Hv)).astype(jnp.int32), 0, Hv)
        mask = (hgrid < bh[:, None, :]).astype(inputs.dtype)
        col_mask = ((col_idx >= start) & (col_idx < end)).astype(inputs.dtype)
        bar_mask = jnp.broadcast_to(col_mask[None, None, :], (Bv, Hv, Wv))
        bar_plot = bar_plot * (1 - bar_mask) + mask * bar_mask
    ebg = bar_plot[..., None]
    stamp_b = jnp.broadcast_to(stamp[None], (Bv, Hv, Wv, 1))
    return jnp.concatenate([stamp_b, di, rwc, nd, ebg], axis=-1)

def reference(inputs, coords, stamp_shape_matrix):
    return _forward(inputs, stamp_shape_matrix, coords)

if __name__ == "__main__":
    import jax
    _d = setup_inputs()
    print(jax.jit(kernel)(*tuple(_d.values())))

</pallas_src>

<mosaic_0001>
module attributes {stable_mosaic.version = 14 : i64} {
  func.func @_tile_kernel(%arg0: i32, %arg1: i32, %arg2: memref<1x1x64xf32, #tpu.memory_space<vmem>>, %arg3: memref<1x64x1xf32, #tpu.memory_space<vmem>>, %arg4: memref<64x2xi32, #tpu.memory_space<vmem>>, %arg5: memref<2x64xi32, #tpu.memory_space<vmem>>, %arg6: memref<256x512xf32, #tpu.memory_space<vmem>>, %arg7: memref<1x256x2560xf32, #tpu.memory_space<vmem>>, %arg8: memref<256x2560xf32, #tpu.memory_space<vmem>>) attributes {dimension_semantics = [#tpu.dimension_semantics<arbitrary>, #tpu.dimension_semantics<arbitrary>], iteration_bounds = array<i64: 2, 16>, scalar_prefetch = 0 : i64, scratch_operands = 1 : i64, tpu.core_type = #tpu.core_type<tc>, window_params = [{transform_indices = @transform_0, window_bounds = array<i64: 1, 1, 64>}, {transform_indices = @transform_1, window_bounds = array<i64: 1, 64, 1>}, {pipeline_mode = #tpu.pipeline_mode<synchronous>, transform_indices = @transform_2, window_bounds = array<i64: 64, 2>}, {pipeline_mode = #tpu.pipeline_mode<synchronous>, transform_indices = @transform_3, window_bounds = array<i64: 2, 64>}, {transform_indices = @transform_4, window_bounds = array<i64: 256, 512>}, {transform_indices = @transform_5, window_bounds = array<i64: 1, 256, 2560>}]} {
    %mul3A = arith.constant 256 : i32
    %mul3A_0 = arith.muli %arg0, %mul3A : i32
    %eq3A = arith.constant 0 : i32
    %eq3A_1 = arith.cmpi eq, %arg1, %eq3A : i32
    %convert_element_type3A = arith.extui %eq3A_1 : i1 to i32
    %cond3A = arith.constant 0 : i32
    %cond3A_2 = arith.cmpi ne, %convert_element_type3A, %cond3A : i32
    scf.if %cond3A_2 {
      %iota3A_201 = tpu.iota {dimensions = array<i32: 1>} : vector<512x2560xi32>
      %iota3A_202 = tpu.iota {dimensions = array<i32: 0>} : vector<512x2560xi32>
      %mul3A_203 = arith.constant 5 : i32
      %mul3A_204 = vector.broadcast %mul3A_203 : i32 to vector<512x2560xi32>
      %mul3A_205 = arith.muli %mul3A_204, %iota3A_202 : vector<512x2560xi32>
      %eq3A_206 = arith.cmpi eq, %iota3A_201, %mul3A_205 : vector<512x2560xi32>
      %convert_element_type3A_207 = arith.extui %eq3A_206 : vector<512x2560xi1> to vector<512x2560xi32>
      %convert_element_type3A_208 = arith.sitofp %convert_element_type3A_207 : vector<512x2560xi32> to vector<512x2560xf32>
      %get3A_209 = arith.constant 0 : index
      %get3A_210 = arith.constant 0 : index
      %get3A_211 = vector.load %arg6[%get3A_209, %get3A_210] : memref<256x512xf32, #tpu.memory_space<vmem>>, vector<256x512xf32>
      %dot_general3A_212 = arith.constant dense<0.000000e+00> : vector<256x2560xf32>
      %dot_general3A_213 = tpu.matmul %get3A_211, %convert_element_type3A_208, %dot_general3A_212 {dimension_numbers = #tpu.dot_dimension_numbers<[1], [0], [0], [1], [0, 0, 1, 1], [], []>, transpose_lhs_hint = false} : vector<256x512xf32>, vector<512x2560xf32>, vector<256x2560xf32> -> vector<256x2560xf32>
      %swap3A_214 = arith.constant 0 : index
      %swap3A_215 = arith.constant 0 : index
      %swap3A_216 = vector.load %arg8[%swap3A_214, %swap3A_215] : memref<256x2560xf32, #tpu.memory_space<vmem>>, vector<256x2560xf32>
      tpu.vector_store %arg8[%swap3A_214, %swap3A_215], %dot_general3A_213 {strides = array<i32>} : memref<256x2560xf32, #tpu.memory_space<vmem>>, vector<256x2560xf32>,
    } else {
    }
    %get3A = arith.constant 0 : index
    %get3A_3 = arith.constant 0 : index
    %get3A_4 = arith.constant 0 : index
    %get3A_5 = vector.load %arg2[%get3A, %get3A_3, %get3A_4] : memref<1x1x64xf32, #tpu.memory_space<vmem>>, vector<1x1x64xf32>
    %get3A_6 = vector.shape_cast %get3A_5 : vector<1x1x64xf32> to vector<1x64xf32>
    %get3A_7 = arith.constant 0 : index
    %get3A_8 = arith.constant 0 : index
    %get3A_9 = arith.constant 0 : index
    %get3A_10 = vector.load %arg3[%get3A_7, %get3A_8, %get3A_9] : memref<1x64x1xf32, #tpu.memory_space<vmem>>, vector<1x64x1xf32>
    %get3A_11 = vector.shape_cast %get3A_10 : vector<1x64x1xf32> to vector<64x1xf32>
    %get3A_12 = arith.constant 0 : index
    %get3A_13 = arith.constant 0 : index
    %get3A_14 = vector.load %arg5[%get3A_12, %get3A_13] : memref<2x64xi32, #tpu.memory_space<vmem>>, vector<1x64xi32>
    %get3A_15 = arith.constant 0 : index
    %get3A_16 = arith.constant 1 : index
    %get3A_17 = vector.load %arg4[%get3A_15, %get3A_16] : memref<64x2xi32, #tpu.memory_space<vmem>>, vector<64x1xi32>
    %iota3A = tpu.iota {dimensions = array<i32: 0>} : vector<256x64xi32>
    %add3A = vector.broadcast %mul3A_0 : i32 to vector<256x64xi32>
    %add3A_18 = arith.addi %iota3A, %add3A : vector<256x64xi32>
    %iota3A_19 = tpu.iota {dimensions = array<i32: 1>} : vector<256x64xi32>
    %eq3A_20 = vector.broadcast %get3A_14 : vector<1x64xi32> to vector<256x64xi32>
    %eq3A_21 = arith.cmpi eq, %add3A_18, %eq3A_20 : vector<256x64xi32>
    %convert_element_type3A_22 = arith.extui %eq3A_21 : vector<256x64xi1> to vector<256x64xi32>
    %convert_element_type3A_23 = arith.sitofp %convert_element_type3A_22 : vector<256x64xi32> to vector<256x64xf32>
    %mul3A_24 = vector.broadcast %get3A_6 : vector<1x64xf32> to vector<256x64xf32>
    %mul3A_25 = arith.mulf %convert_element_type3A_23, %mul3A_24 : vector<256x64xf32>
    %jit3A = arith.constant 8 : i32
    %div3A = vector.broadcast %jit3A : i32 to vector<256x64xi32>
    %div3A_26 = arith.divsi %add3A_18, %div3A : vector<256x64xi32>
    %sign3A = arith.constant 0 : i32
    %sign3A_27 = vector.broadcast %sign3A : i32 to vector<256x64xi32>
    %sign3A_28 = arith.cmpi sgt, %add3A_18, %sign3A_27 : vector<256x64xi32>
    %sign3A_29 = arith.extui %sign3A_28 : vector<256x64xi1> to vector<256x64xi32>
    %sign3A_30 = arith.constant 0 : i32
    %sign3A_31 = vector.broadcast %sign3A_30 : i32 to vector<256x64xi32>
    %sign3A_32 = arith.cmpi slt, %add3A_18, %sign3A_31 : vector<256x64xi32>
    %sign3A_33 = arith.extui %sign3A_32 : vector<256x64xi1> to vector<256x64xi32>
    %sign3A_34 = arith.subi %sign3A_29, %sign3A_33 : vector<256x64xi32>
    %sign3A_35 = arith.constant 0 : i32
    %sign3A_36 = arith.cmpi sgt, %jit3A, %sign3A_35 : i32
    %sign3A_37 = arith.extui %sign3A_36 : i1 to i32
    %sign3A_38 = arith.constant 0 : i32
    %sign3A_39 = arith.cmpi slt, %jit3A, %sign3A_38 : i32
    %sign3A_40 = arith.extui %sign3A_39 : i1 to i32
    %sign3A_41 = arith.subi %sign3A_37, %sign3A_40 : i32
    %ne3A = vector.broadcast %sign3A_41 : i32 to vector<256x64xi32>
    %ne3A_42 = arith.cmpi ne, %sign3A_34, %ne3A : vector<256x64xi32>
    %rem3A = vector.broadcast %jit3A : i32 to vector<256x64xi32>
    %rem3A_43 = arith.remsi %add3A_18, %rem3A : vector<256x64xi32>
    %ne3A_44 = arith.constant 0 : i32
    %ne3A_45 = vector.broadcast %ne3A_44 : i32 to vector<256x64xi32>
    %ne3A_46 = arith.cmpi ne, %rem3A_43, %ne3A_45 : vector<256x64xi32>
    %and3A = arith.andi %ne3A_42, %ne3A_46 : vector<256x64xi1>
    %sub3A = arith.constant 1 : i32
    %sub3A_47 = vector.broadcast %sub3A : i32 to vector<256x64xi32>
    %sub3A_48 = arith.subi %div3A_26, %sub3A_47 : vector<256x64xi32>
    %select_n3A = arith.select %and3A, %sub3A_48, %div3A_26 : vector<256x64xi1>, vector<256x64xi32>
    %eq3A_49 = arith.cmpi eq, %select_n3A, %iota3A_19 : vector<256x64xi32>
    %convert_element_type3A_50 = arith.extui %eq3A_49 : vector<256x64xi1> to vector<256x64xi32>
    %convert_element_type3A_51 = arith.sitofp %convert_element_type3A_50 : vector<256x64xi32> to vector<256x64xf32>
    %sub3A_52 = vector.broadcast %get3A_11 : vector<64x1xf32> to vector<64x64xf32>
    %sub3A_53 = vector.broadcast %get3A_6 : vector<1x64xf32> to vector<64x64xf32>
    %sub3A_54 = arith.subf %sub3A_52, %sub3A_53 : vector<64x64xf32>
    %abs3A = math.absf %sub3A_54 : vector<64x64xf32>
    %reduce_min3A = vector.shape_cast %abs3A : vector<64x64xf32> to vector<1x64x64xf32>
    %reduce_min3A_55 = arith.constant dense<0x7F800000> : vector<1xf32>
    %reduce_min3A_56 = vector.multi_reduction <minimumf>, %reduce_min3A, %reduce_min3A_55 [1, 2] : vector<1x64x64xf32> to vector<1xf32>
    %reduce_min3A_57 = vector.shape_cast %reduce_min3A_56 : vector<1xf32> to vector<1x1x1xf32>
    %reduce_min3A_58 = vector.extract %reduce_min3A_57[0, 0, 0] : f32 from vector<1x1x1xf32>
    %reduce_max3A = vector.shape_cast %abs3A : vector<64x64xf32> to vector<1x64x64xf32>
    %reduce_max3A_59 = arith.constant dense<0xFF800000> : vector<1xf32>
    %reduce_max3A_60 = vector.multi_reduction <maximumf>, %reduce_max3A, %reduce_max3A_59 [1, 2] : vector<1x64x64xf32> to vector<1xf32>
    %reduce_max3A_61 = vector.shape_cast %reduce_max3A_60 : vector<1xf32> to vector<1x1x1xf32>
    %reduce_max3A_62 = vector.extract %reduce_max3A_61[0, 0, 0] : f32 from vector<1x1x1xf32>
    %sub3A_63 = vector.broadcast %reduce_min3A_58 : f32 to vector<64x64xf32>
    %sub3A_64 = arith.subf %abs3A, %sub3A_63 : vector<64x64xf32>
    %sub3A_65 = arith.subf %reduce_max3A_62, %reduce_min3A_58 : f32
    %div3A_66 = vector.broadcast %sub3A_65 : f32 to vector<64x64xf32>
    %div3A_67 = arith.divf %sub3A_64, %div3A_66 : vector<64x64xf32>
    %dot_general3A = arith.constant dense<0.000000e+00> : vector<256x64xf32>
    %dot_general3A_68 = tpu.matmul %convert_element_type3A_51, %div3A_67, %dot_general3A {dimension_numbers = #tpu.dot_dimension_numbers<[1], [0], [0], [1], [0, 0, 1, 1], [], []>, transpose_lhs_hint = false} : vector<256x64xf32>, vector<64x64xf32>, vector<256x64xf32> -> vector<256x64xf32>
    %mul3A_69 = arith.constant 5.120000e+02 : f32
    %mul3A_70 = vector.broadcast %mul3A_69 : f32 to vector<1x64xf32>
    %mul3A_71 = arith.mulf %get3A_6, %mul3A_70 : vector<1x64xf32>
    %round3A = math.roundeven %mul3A_71 : vector<1x64xf32>
    %jit3A_72 = arith.constant 0.000000e+00 : f32
    %jit3A_73 = arith.constant 5.120000e+02 : f32
    %max3A = vector.broadcast %jit3A_72 : f32 to vector<1x64xf32>
    %max3A_74 = arith.maximumf %max3A, %round3A : vector<1x64xf32>
    %min3A = vector.broadcast %jit3A_73 : f32 to vector<1x64xf32>
    %min3A_75 = arith.minimumf %min3A, %max3A_74 : vector<1x64xf32>
    %convert_element_type3A_76 = arith.fptosi %min3A_75 : vector<1x64xf32> to vector<1x64xi32>
    %lt3A = vector.broadcast %convert_element_type3A_76 : vector<1x64xi32> to vector<256x64xi32>
    %lt3A_77 = arith.cmpi slt, %add3A_18, %lt3A : vector<256x64xi32>
    %convert_element_type3A_78 = arith.extui %lt3A_77 : vector<256x64xi1> to vector<256x64xi32>
    %convert_element_type3A_79 = arith.sitofp %convert_element_type3A_78 : vector<256x64xi32> to vector<256x64xf32>
    %iota3A_80 = tpu.iota {dimensions = array<i32: 1>} : vector<64x2560xi32>
    %iota3A_81 = tpu.iota {dimensions = array<i32: 0>} : vector<64x2560xi32>
    %jit3A_82 = arith.constant 5 : i32
    %div3A_83 = vector.broadcast %jit3A_82 : i32 to vector<64x2560xi32>
    %div3A_84 = arith.divsi %iota3A_80, %div3A_83 : vector<64x2560xi32>
    %sign3A_85 = arith.constant 0 : i32
    %sign3A_86 = vector.broadcast %sign3A_85 : i32 to vector<64x2560xi32>
    %sign3A_87 = arith.cmpi sgt, %iota3A_80, %sign3A_86 : vector<64x2560xi32>
    %sign3A_88 = arith.extui %sign3A_87 : vector<64x2560xi1> to vector<64x2560xi32>
    %sign3A_89 = arith.constant 0 : i32
    %sign3A_90 = vector.broadcast %sign3A_89 : i32 to vector<64x2560xi32>
    %sign3A_91 = arith.cmpi slt, %iota3A_80, %sign3A_90 : vector<64x2560xi32>
    %sign3A_92 = arith.extui %sign3A_91 : vector<64x2560xi1> to vector<64x2560xi32>
    %sign3A_93 = arith.subi %sign3A_88, %sign3A_92 : vector<64x2560xi32>
    %sign3A_94 = arith.constant 0 : i32
    %sign3A_95 = arith.cmpi sgt, %jit3A_82, %sign3A_94 : i32
    %sign3A_96 = arith.extui %sign3A_95 : i1 to i32
    %sign3A_97 = arith.constant 0 : i32
    %sign3A_98 = arith.cmpi slt, %jit3A_82, %sign3A_97 : i32
    %sign3A_99 = arith.extui %sign3A_98 : i1 to i32
    %sign3A_100 = arith.subi %sign3A_96, %sign3A_99 : i32
    %ne3A_101 = vector.broadcast %sign3A_100 : i32 to vector<64x2560xi32>
    %ne3A_102 = arith.cmpi ne, %sign3A_93, %ne3A_101 : vector<64x2560xi32>
    %rem3A_103 = vector.broadcast %jit3A_82 : i32 to vector<64x2560xi32>
    %rem3A_104 = arith.remsi %iota3A_80, %rem3A_103 : vector<64x2560xi32>
    %ne3A_105 = arith.constant 0 : i32
    %ne3A_106 = vector.broadcast %ne3A_105 : i32 to vector<64x2560xi32>
    %ne3A_107 = arith.cmpi ne, %rem3A_104, %ne3A_106 : vector<64x2560xi32>
    %and3A_108 = arith.andi %ne3A_102, %ne3A_107 : vector<64x2560xi1>
    %sub3A_109 = arith.constant 1 : i32
    %sub3A_110 = vector.broadcast %sub3A_109 : i32 to vector<64x2560xi32>
    %sub3A_111 = arith.subi %div3A_84, %sub3A_110 : vector<64x2560xi32>
    %select_n3A_112 = arith.select %and3A_108, %sub3A_111, %div3A_84 : vector<64x2560xi1>, vector<64x2560xi32>
    %mul3A_113 = arith.constant 5 : i32
    %mul3A_114 = vector.broadcast %mul3A_113 : i32 to vector<64x2560xi32>
    %mul3A_115 = arith.muli %mul3A_114, %select_n3A_112 : vector<64x2560xi32>
    %sub3A_116 = arith.subi %iota3A_80, %mul3A_115 : vector<64x2560xi32>
    %eq3A_117 = arith.constant 1 : i32
    %eq3A_118 = vector.broadcast %eq3A_117 : i32 to vector<64x2560xi32>
    %eq3A_119 = arith.cmpi eq, %sub3A_116, %eq3A_118 : vector<64x2560xi32>
    %eq3A_120 = vector.broadcast %get3A_17 : vector<64x1xi32> to vector<64x2560xi32>
    %eq3A_121 = arith.cmpi eq, %select_n3A_112, %eq3A_120 : vector<64x2560xi32>
    %and3A_122 = arith.andi %eq3A_119, %eq3A_121 : vector<64x2560xi1>
    %convert_element_type3A_123 = arith.extui %and3A_122 : vector<64x2560xi1> to vector<64x2560xi32>
    %convert_element_type3A_124 = arith.sitofp %convert_element_type3A_123 : vector<64x2560xi32> to vector<64x2560xf32>
    %eq3A_125 = arith.constant 2 : i32
    %eq3A_126 = vector.broadcast %eq3A_125 : i32 to vector<64x2560xi32>
    %eq3A_127 = arith.cmpi eq, %sub3A_116, %eq3A_126 : vector<64x2560xi32>
    %convert_element_type3A_128 = arith.extui %eq3A_127 : vector<64x2560xi1> to vector<64x2560xi32>
    %convert_element_type3A_129 = arith.sitofp %convert_element_type3A_128 : vector<64x2560xi32> to vector<64x2560xf32>
    %mul3A_130 = vector.broadcast %get3A_11 : vector<64x1xf32> to vector<64x2560xf32>
    %mul3A_131 = arith.mulf %convert_element_type3A_129, %mul3A_130 : vector<64x2560xf32>
    %eq3A_132 = arith.constant 3 : i32
    %eq3A_133 = vector.broadcast %eq3A_132 : i32 to vector<64x2560xi32>
    %eq3A_134 = arith.cmpi eq, %sub3A_116, %eq3A_133 : vector<64x2560xi32>
    %jit3A_135 = arith.constant 8 : i32
    %div3A_136 = vector.broadcast %jit3A_135 : i32 to vector<64x2560xi32>
    %div3A_137 = arith.divsi %select_n3A_112, %div3A_136 : vector<64x2560xi32>
    %sign3A_138 = arith.constant 0 : i32
    %sign3A_139 = vector.broadcast %sign3A_138 : i32 to vector<64x2560xi32>
    %sign3A_140 = arith.cmpi sgt, %select_n3A_112, %sign3A_139 : vector<64x2560xi32>
    %sign3A_141 = arith.extui %sign3A_140 : vector<64x2560xi1> to vector<64x2560xi32>
    %sign3A_142 = arith.constant 0 : i32
    %sign3A_143 = vector.broadcast %sign3A_142 : i32 to vector<64x2560xi32>
    %sign3A_144 = arith.cmpi slt, %select_n3A_112, %sign3A_143 : vector<64x2560xi32>
    %sign3A_145 = arith.extui %sign3A_144 : vector<64x2560xi1> to vector<64x2560xi32>
    %sign3A_146 = arith.subi %sign3A_141, %sign3A_145 : vector<64x2560xi32>
    %sign3A_147 = arith.constant 0 : i32
    %sign3A_148 = arith.cmpi sgt, %jit3A_135, %sign3A_147 : i32
    %sign3A_149 = arith.extui %sign3A_148 : i1 to i32
    %sign3A_150 = arith.constant 0 : i32
    %sign3A_151 = arith.cmpi slt, %jit3A_135, %sign3A_150 : i32
    %sign3A_152 = arith.extui %sign3A_151 : i1 to i32
    %sign3A_153 = arith.subi %sign3A_149, %sign3A_152 : i32
    %ne3A_154 = vector.broadcast %sign3A_153 : i32 to vector<64x2560xi32>
    %ne3A_155 = arith.cmpi ne, %sign3A_146, %ne3A_154 : vector<64x2560xi32>
    %rem3A_156 = vector.broadcast %jit3A_135 : i32 to vector<64x2560xi32>
    %rem3A_157 = arith.remsi %select_n3A_112, %rem3A_156 : vector<64x2560xi32>
    %ne3A_158 = arith.constant 0 : i32
    %ne3A_159 = vector.broadcast %ne3A_158 : i32 to vector<64x2560xi32>
    %ne3A_160 = arith.cmpi ne, %rem3A_157, %ne3A_159 : vector<64x2560xi32>
    %and3A_161 = arith.andi %ne3A_155, %ne3A_160 : vector<64x2560xi1>
    %sub3A_162 = arith.constant 1 : i32
    %sub3A_163 = vector.broadcast %sub3A_162 : i32 to vector<64x2560xi32>
    %sub3A_164 = arith.subi %div3A_137, %sub3A_163 : vector<64x2560xi32>
    %select_n3A_165 = arith.select %and3A_161, %sub3A_164, %div3A_137 : vector<64x2560xi1>, vector<64x2560xi32>
    %eq3A_166 = arith.cmpi eq, %select_n3A_165, %iota3A_81 : vector<64x2560xi32>
    %and3A_167 = arith.andi %eq3A_134, %eq3A_166 : vector<64x2560xi1>
    %convert_element_type3A_168 = arith.extui %and3A_167 : vector<64x2560xi1> to vector<64x2560xi32>
    %convert_element_type3A_169 = arith.sitofp %convert_element_type3A_168 : vector<64x2560xi32> to vector<64x2560xf32>
    %mul3A_170 = arith.constant 7 : i32
    %mul3A_171 = vector.broadcast %mul3A_170 : i32 to vector<64x2560xi32>
    %mul3A_172 = arith.muli %mul3A_171, %iota3A_81 : vector<64x2560xi32>
    %add3A_173 = arith.constant 34 : i32
    %add3A_174 = vector.broadcast %add3A_173 : i32 to vector<64x2560xi32>
    %add3A_175 = arith.addi %add3A_174, %mul3A_172 : vector<64x2560xi32>
    %sub3A_176 = arith.subi %select_n3A_112, %add3A_175 : vector<64x2560xi32>
    %eq3A_177 = arith.constant 4 : i32
    %eq3A_178 = vector.broadcast %eq3A_177 : i32 to vector<64x2560xi32>
    %eq3A_179 = arith.cmpi eq, %sub3A_116, %eq3A_178 : vector<64x2560xi32>
    %ge3A = arith.constant 0 : i32
    %ge3A_180 = vector.broadcast %ge3A : i32 to vector<64x2560xi32>
    %ge3A_181 = arith.cmpi sge, %sub3A_176, %ge3A_180 : vector<64x2560xi32>
    %and3A_182 = arith.andi %eq3A_179, %ge3A_181 : vector<64x2560xi1>
    %lt3A_183 = arith.constant 2 : i32
    %lt3A_184 = vector.broadcast %lt3A_183 : i32 to vector<64x2560xi32>
    %lt3A_185 = arith.cmpi slt, %sub3A_176, %lt3A_184 : vector<64x2560xi32>
    %and3A_186 = arith.andi %and3A_182, %lt3A_185 : vector<64x2560xi1>
    %convert_element_type3A_187 = arith.extui %and3A_186 : vector<64x2560xi1> to vector<64x2560xi32>
    %convert_element_type3A_188 = arith.sitofp %convert_element_type3A_187 : vector<64x2560xi32> to vector<64x2560xf32>
    %concatenate3A = tpu.concatenate %mul3A_25, %convert_element_type3A_51, %dot_general3A_68, %convert_element_type3A_79 in 1 : vector<256x64xf32>, vector<256x64xf32>, vector<256x64xf32>, vector<256x64xf32> -> vector<256x256xf32>
    %concatenate3A_189 = tpu.concatenate %convert_element_type3A_124, %mul3A_131, %convert_element_type3A_169, %convert_element_type3A_188 in 0 : vector<64x2560xf32>, vector<64x2560xf32>, vector<64x2560xf32>, vector<64x2560xf32> -> vector<256x2560xf32>
    %dot_general3A_190 = arith.constant dense<0.000000e+00> : vector<256x2560xf32>
    %dot_general3A_191 = tpu.matmul %concatenate3A, %concatenate3A_189, %dot_general3A_190 {dimension_numbers = #tpu.dot_dimension_numbers<[1], [0], [0], [1], [0, 0, 1, 1], [], []>, transpose_lhs_hint = false} : vector<256x256xf32>, vector<256x2560xf32>, vector<256x2560xf32> -> vector<256x2560xf32>
    %get3A_192 = arith.constant 0 : index
    %get3A_193 = arith.constant 0 : index
    %get3A_194 = vector.load %arg8[%get3A_192, %get3A_193] : memref<256x2560xf32, #tpu.memory_space<vmem>>, vector<256x2560xf32>
    %add3A_195 = arith.addf %get3A_194, %dot_general3A_191 : vector<256x2560xf32>
    %swap3A = arith.constant 0 : index
    %swap3A_196 = arith.constant 0 : index
    %swap3A_197 = arith.constant 0 : index
    %swap3A_198 = vector.load %arg7[%swap3A, %swap3A_196, %swap3A_197] : memref<1x256x2560xf32, #tpu.memory_space<vmem>>, vector<1x256x2560xf32>
    %swap3A_199 = vector.shape_cast %swap3A_198 : vector<1x256x2560xf32> to vector<256x2560xf32>
    %swap3A_200 = vector.shape_cast %add3A_195 : vector<256x2560xf32> to vector<1x256x2560xf32>
    tpu.vector_store %arg7[%swap3A, %swap3A_196, %swap3A_197], %swap3A_200 {strides = array<i32>} : memref<1x256x2560xf32, #tpu.memory_space<vmem>>, vector<1x256x2560xf32>,
    return
  }
  func.func @transform_0(%arg0: i32, %arg1: i32) -> (i32, i32, i32) {
    %c0_i32 = arith.constant 0 : i32
    %c0_i32_0 = arith.constant 0 : i32
    %c0_i32_1 = arith.constant 0 : i32
    return %arg1, %c0_i32, %c0_i32_0 : i32, i32, i32
  }
  func.func @transform_1(%arg0: i32, %arg1: i32) -> (i32, i32, i32) {
    %c0_i32 = arith.constant 0 : i32
    %c0_i32_0 = arith.constant 0 : i32
    %c0_i32_1 = arith.constant 0 : i32
    return %arg1, %c0_i32, %c0_i32_0 : i32, i32, i32
  }
  func.func @transform_2(%arg0: i32, %arg1: i32) -> (i32, i32) {
    %c0_i32 = arith.constant 0 : i32
    %c0_i32_0 = arith.constant 0 : i32
    %c0_i32_1 = arith.constant 0 : i32
    return %c0_i32, %c0_i32_0 : i32, i32
  }
  func.func @transform_3(%arg0: i32, %arg1: i32) -> (i32, i32) {
    %c0_i32 = arith.constant 0 : i32
    %c0_i32_0 = arith.constant 0 : i32
    %c0_i32_1 = arith.constant 0 : i32
    return %c0_i32, %c0_i32_0 : i32, i32
  }
  func.func @transform_4(%arg0: i32, %arg1: i32) -> (i32, i32) {
    %c0_i32 = arith.constant 0 : i32
    %c0_i32_0 = arith.constant 0 : i32
    return %arg0, %c0_i32 : i32, i32
  }
  func.func @transform_5(%arg0: i32, %arg1: i32) -> (i32, i32, i32) {
    %c0_i32 = arith.constant 0 : i32
    %c0_i32_0 = arith.constant 0 : i32
    return %arg1, %arg0, %c0_i32 : i32, i32, i32
  }
}

</mosaic_0001>

<sc_bundles>
// kernel: sparse-core-data-format-call.cloned.1.call-start
scs
called_computation_lowered:
.L_overlay_start_0:
0x0: {  	s2 =	sld [smem:$0x3FD9]  }
0x1: {  	s3 =	sld [smem:$0x3FFE];
	_ =	sdelay $0x1  }
0x2: {  	s1 =	srdreg.scid  }
0x3: {  	s0 =	sand.u32 $0x1, s1  }
0x4: {  	s18 =	sshll.u32 s0, $0xA;
	s2 =	sadd.s32 s3, s2  }
0x5: {  	s2 =	sadd.s32 s2, s18  }
0x6: {  	[smem:$0x3FC5] =	sst s2  }
0x7: {  	_ = 	snop  }
0x8: {  	s2 =	sld [smem:$0x3FD0];
	(tm) =	ssettm $0x1  }
0x9: {  	s19 =	sld [smem:$0x3FFB];
	_ =	sdelay $0x3  }
0xa: {  	_ =	strace s19  }
0xb: {  	s3 =	sld [smem:$0x3FFC];
	_ =	sdelay $0x3  }
0xc: {  	_ =	strace s3  }
0xd: {  	s3 =	sld [smem:$0x3FFD];
	_ =	sdelay $0x3  }
0xe: {  	_ =	strace s3  }
0xf: {  	_ =	strace $0x8FFFFFFF  }
0x10: {  	s20 =	sld [smem:$0x3FDB];
	_ =	sdelay $0x1  }
0x11: {  	s4 =	simm.s32 $_scs_section_size  }
0x12: {  	s5 =	simm.s32 $_size__tile_overlayer_lowered;
	s6 =	simm.s32 $_tile_overlayer_lowered  }
0x13: {  	s23 =	simm.s32 $0x1BFF;
	s22 =	sshll.u32 s6, $0x1;
	s3 =	sadd.s32 s4, s20  }
0x14: {  	s7 =	simm.s32 $0x0;
	s21 =	sshll.u32 s5, $0x1;
	s5 =	sadd.s32 s22, s3  }
0x15: {  	[timem:s7], [sflag:s23] =	dma.local [hbm:s5], s21  }
0x16: {  	_ =	swait.ge [sflag:s23], s21  }
0x17: {  	s4 =	ssub.s32 $0x0, s21;
	[sflag:s23] =	ssyncset.done $0x0  }
0x18: {  	[sflag:s23] =	ssyncadd.s32 s4;
	_ =	sdelay $0x1  }
0x19: {  	s24 =	simm.s32 $0x1B8B  }
0x1a: {  	_ =	swait.ge [sflag:s24], $0x1  }
0x1b: {  	[sflag:s24] =	ssyncset.done $0x0  }
0x1c: {  	s26 =	simm.s32 $0x1B8E;
	s25 =	sld [smem:$0x3FFE];
	[sflag:s24] =	ssyncadd.s32 $0xFFFFFFFF  }
0x1d: {  	s27 =	simm.s32 $execute0_lowered;
	[smem:$0x3FD2] =	sst s26  }
0x1e: {  	s5 =	sshll.u32 s27, $0x1;
	_ =	strace $0x80000046;
	[dreg:$0x1] =	wrdreg $0xFFFFFFFF  }
0x1f: {  	s28 =	simm.s32 $_size_execute0_lowered;
	s3 =	sadd.s32 s3, s5;
	[dreg:$0x0] =	wrdreg $0x0  }
0x20: {  	s5 =	sshll.u32 s28, $0x1;
	[dreg:$0x2] =	wrdreg s3  }
0x21: {  	[dreg:$0x3] =	wrdreg s5  }
0x22: {  	[dreg:$0x4] =	wrdreg $0xC0  }
0x23: {  	_ =	task [dreg:s7], $0x5FFFF  }
0x24: {  	[dreg:$0x1] =	wrdreg $0xFFFFFFFF  }
0x25: {  	[dreg:$0x0] =	wrdreg $0x60  }
0x26: {  	[dreg:$0x2] =	wrdreg s25  }
0x27: {  	[dreg:$0x3] =	wrdreg s2  }
0x28: {  	[dreg:$0x4] =	wrdreg $0x9  }
0x29: {  	_ =	task.clear_ibuf [dreg:s7], $0x5FFFF;
	_ =	strace $0x90000046  }
0x2a: {  	s29 =	simm.s32 $0x9;
	_ =	strace $0x80000048  }
0x2b: {  	_ =	swait.ge [sflag:s29], $0x1  }
0x2c: {  	[sflag:s29] =	ssyncadd.s32 $0xFFFFFFFF  }
0x2d: {  	_ =	strace $0x90000048  }
0x2e: {  	_ =	sfence  }
0x2f: {  	s30 =	sld [smem:$0x0];
	_ =	sdelay $0x2  }
0x30: {  	s31 =	sshll.u32 s1, $0xD;
	s1 =	sshrl.u32 s1, $0x2  }
0x31: {  	s3 =	sand.u32 $0x4000, s31;
	s1 =	sadd.s32 s1, s30  }
0x32: {  	s0 =	sor.u32 s3, s0;
	s1 =	sshll.u32 s1, $0x11  }
0x33: {  	s0 =	sor.u32 s1, s0  }
0x34: {  	s0 =	sadd.s32 $0x8F2B, s0  }
0x35: {  	[sflag:s0] =	ssyncadd.remote.s32 $0x1  }
0x36: {  	_ =	sfence.sel $0xFFFF  }
0x37: {  	[dreg:$0x0] =	wrdreg $0xFFFFFFFF;
	(pc) =	sbr.abs _section_cstart, $3  }
0x38: {  	[dreg:$0x1] =	wrdreg $0xFFFFFFFF  }
0x39: {  	_ =	task.clear_ibuf [dreg:s7], $0x2FFFF;
	_ =	strace $0x9FFFFFFF  }
0x3a: {  	(tm) =	ssettm $0x7FFFFFFF  }
0x3b: {  	_ =	shalt  }
tec
execute0_lowered:
.L_overlay_start_1:
0x0: {  	(tag) =	ssettag $0x1  }
0x1: {  	s0 =	stileid.u32;
	s4 =	rddreg [dreg:$0x0]  }
0x2: {  	s3 =	rddreg [dreg:$0x1];
	s7 =	srdreg.scid;
	s8 =	simm.s32 $0x2  }
0x3: {  	s18 =	simm.s32 $0x0;
	s9 =	simm.s32 $0x1000;
	s16 =	simm.s32 $0x0  }
0x4: {  	s17 =	simm.s32 $0x0;
	s15 =	simm.s32 $0x0;
	s1 =	sshll.u32 s0, $0x7  }
0x5: {  	s10 =	simm.s32 $0x0;
	s12 =	simm.s32 $0x0;
	s2 =	sand.u32 $0x180, s1  }
0x6: {  	s14 =	simm.s32 $0x0;
	s4 =	sadd.s32 $0x800, s4;
	s5 =	ssub.s32 $0x200, s2  }
0x7: {  	s7 =	sshll.u32 s7, $0x4;
	s1 =	rddreg [dreg:$0x2];
	s6 =	sand.u32 $0x180, s5  }
0x8: {  	s7 =	sand.u32 $0x10, s7;
	p0 =	sne.s32 s6, $0x0;
	s6 =	simm.s32 $0x1  }
.Ltmp0:
0x9: {  	s5 =	sshrl.u32 s5, $0x9;
	s6 =	simm.s32 @!p0 $0x0;
	(pc) =	sbr.rel .LBB1_1-.Ltmp0, $4  }
0xa: {  	_ =	strace $0x80000047;
	s7 =	sor.u32 s0, s7;
	s6 =	sadd.s32 s6, s5  }
0xb: {  	s7 =	sshrl.u32 s7, $0x2;
	s5 =	simm.s32 $0x1;
	s6 =	smul.u32 $0x28, s6  }
0xc: {  	s13 =	smov.u32 s2;
	s11 =	smov.u32 s7;
	[sflag:s5] =	ssyncpa.u1 $0x0  }
0xd: {  	p0 =	por $0x0, $0x0;
	[sflag:s8] =	ssyncpa.u1 $0x0;
	s8 =	sor.u32 $0x1, s6  }
.LBB1_4:
0xe: {  	v5 =	vld [tilespmem:s20+$0xFFFFFFD0];
	[tilespmem:s22+$0x2040 ss:$0x81] =	vst.msk $0xffff, v2  }
0xf: {  	v58 =	vld [tilespmem:s20+$0xFFFFFFE0];
	[tilespmem:s22+$0x2850 ss:$0x81] =	vst.msk $0xffff, v3  }
0x10: {  	s23 =	sshra.s32 s23, $0x2;
	v59 =	vld [tilespmem:s20+$0xFFFFFFF0];
	[tilespmem:s22+$0x3060 ss:$0x81] =	vst.msk $0xffff, v4  }
0x11: {  	v60 =	vld [tilespmem:s20+$0x0];
	[tilespmem:s22+$0x0 ss:$0x81] =	vst.msk $0xffff, v0;
	s21 =	sadd.s32 s23, s21  }
0x12: {  	s24 =	sshll.u32 s18, $0x9;
	s25 =	sshll.u32 s15, $0x3;
	v61 =	vld [tilespmem:s20+$0x10];
	s26 =	sshll.u32 s18, $0x7;
	[tilespmem:s21+$0x3870 ss:$0x81] =	vst.msk $0xffff, v1  }
0x13: {  	v62 =	vld [tilespmem:s20+$0x20];
	s28 =	sand.u32 $0x78, s15;
	s16 =	smul.u32 $0x28000, s16;
	s17 =	sshll.u32 s17, $0xF;
	[tilespmem:s21+$0x810 ss:$0x81] =	vst.msk $0xffff, v5  }
0x14: {  	v63 =	vld [tilespmem:s20+$0xFFFFFFC0];
	s30 =	sand.u32 $0x7, s15;
	s22 =	sand.u32 $0x3F000, s24;
	s23 =	sand.u32 $0x3FC00, s25;
	[tilespmem:s21+$0x1020 ss:$0x81] =	vst.msk $0xffff, v58  }
0x15: {  	s27 =	sand.u32 $0x200, s26;
	s18 =	sand.u32 $0x180, s26;
	s22 =	sadd.s32 s23, s22;
	[tilespmem:s21+$0x1830 ss:$0x81] =	vst.msk $0xffff, v59  }
0x16: {  	s17 =	sadd.s32 s3, s17;
	s18 =	sor.u32 s28, s18;
	s22 =	sor.u32 s27, s22;
	[tilespmem:s21+$0x2040 ss:$0x81] =	vst.msk $0xffff, v60  }
0x17: {  	s16 =	sadd.s32 s16, s17;
	s18 =	sshrl.u32 s18, $0x3;
	s29 =	sshrl.u32 s22, $0x3;
	[tilespmem:s21+$0x2850 ss:$0x81] =	vst.msk $0xffff, v61  }
0x18: {  	s15 =	sshll.u32 s30, $0x12;
	s16 =	sadd.s32 s18, s16;
	[tilespmem:s21+$0x3060 ss:$0x81] =	vst.msk $0xffff, v62;
	s31 =	sand.u32 $0x7FC0, s29  }
0x19: {  	s15 =	sor.u32 $0x400, s15;
	[tilespmem:s21+$0x0 ss:$0x81] =	vst.msk $0xffff, v63;
	s16 =	sadd.s32 s31, s16  }
0x1a: {  	[hbm4b:s16+s15] =	stream.strided.scatter [tilespmem:s19], [sflag:$0x2], $0x4000, s9, s15, $0x20;
	[tilespmem:$0x10100] =	vst v63  }
.LBB1_5:
0x1b: {  	s19 =	sadd.s32 $0x80, s10  }
0x1c: {  	s15 =	sadd.s32 $0x8, s11;
	s20 =	smov.u32 s11;
	p2 =	sgt.s32 s19, $0x1FF  }
0x1d: {  	s20 =	smov.u32 @p2 s15  }
0x1e: {  	s15 =	simm.s32 $0x1;
	p3 =	sgt.s32 s20, $0xF  }
0x1f: {  	s15 =	simm.s32 @!p3 $0x0  }
0x20: {  	s21 =	sadd.s32 s15, s12  }
0x21: {  	s22 =	smov.u32 s13;
	s15 =	sadd.s32 $0x200, s13;
	p4 =	sgt.s32 s21, $0x4  }
0x22: {  	p1 =	slt.u32 s14, $0x2;
	s22 =	smov.u32 @p4 s15  }
0x23: {  	s18 =	smov.u32 s10;
	s19 =	simm.s32 @p2 $0x0;
	p2 =	sgt.s32 s22, $0x1FF  }
0x24: {  	s23 =	simm.s32 @!p1 $0x2;
	s22 =	smov.u32 @p2 s2;
	p2 =	sne.s32 s14, s8  }
.Ltmp1:
0x25: {  	s16 =	smov.u32 s11;
	_ =	swait.ge @!p1 [sflag:s23], $0x4000;
	(pc) =	sbr.rel @!p2 .LBB1_6-.Ltmp1, $4  }
0x26: {  	s17 =	smov.u32 s12;
	p0 =	por !p0, !p0;
	[sflag:s23] =	ssyncset.done @!p1 $0x0  }
0x27: {  	s10 =	smov.u32 s19;
	s20 =	smov.u32 @p3 s7;
	[sflag:s23] =	ssyncadd.s32 @!p1 $0xFFFFC000  }
0x28: {  	s11 =	smov.u32 s20;
	s21 =	simm.s32 @p4 $0x0;
	s15 =	smov.u32 s13  }
0x29: {  	s12 =	smov.u32 s21;
	s14 =	sadd.s32 $0x1, s14;
	s13 =	smov.u32 s22  }
.LBB1_1:
0x2a: {  	p1 =	sge.u32 s14, s6;
	s31 =	sadd.s32 $0xFFFFFFFF, s14  }
0x2b: {  	s19 =	sxor.u32 @!p1 $0xFFFFFFFF, s14;
	s20 =	sshll.u32 @!p1 s11, $0x9;
	s21 =	sshll.u32 @!p1 s10, $0x3  }
0x2c: {  	s22 =	sand.u32 @!p1 $0x78, s10;
	s20 =	sand.u32 @!p1 $0x1000, s20;
	s21 =	sand.u32 @!p1 $0x1C00, s21  }
0x2d: {  	s24 =	smul.u32 @!p1 $0x1400, s13;
	s20 =	sadd.s32 @!p1 s20, s21;
	s21 =	sshll.u32 @!p1 s11, $0x7  }
0x2e: {  	s19 =	sshll.u32 @!p1 s19, $0xE;
	s23 =	sand.u32 @!p1 $0x200, s21;
	s21 =	sand.u32 @!p1 $0x180, s21  }
0x2f: {  	s19 =	sand.u32 @!p1 $0x4000, s19;
	s20 =	sor.u32 @!p1 s23, s20;
	s21 =	sor.u32 @!p1 s22, s21  }
0x30: {  	s22 =	sshll.u32 @!p1 s12, $0xA;
	s23 =	sadd.s32 @!p1 s4, s24;
	s20 =	sshrl.u32 @!p1 s20, $0x3  }
0x31: {  	s21 =	sshrl.u32 @!p1 s21, $0x3;
	s22 =	sadd.s32 @!p1 s22, s23;
	s23 =	sand.u32 @!p1 $0x7, s10  }
0x32: {  	s20 =	sand.u32 @!p1 $0x3C0, s20;
	s21 =	sadd.s32 @!p1 s21, s22;
	s22 =	sshll.u32 @!p1 s23, $0x12  }
0x33: {  	s20 =	sadd.s32 @!p1 s20, s21;
	s21 =	sor.u32 @!p1 $0x80, s22;
	s22 =	simm.s32 @!p1 $0xA000  }
0x34: {  	[tilespmem:s19], [sflag:$0x1] =	stream.strided.gather @!p1 [hbm4b:s20+s21], $0x4000, s22, s21, $0x38;
	[tilespmem:$0x10100] =	vst v63  }
0x35: {  	p1 =	sge.u32 s31, s6  }
.Ltmp2:
0x36: {  	_ = 	snop;
	(pc) =	sbr.rel @p1 .LBB1_5-.Ltmp2, $1  }
0x37: {  	_ =	sdelay $0x3  }
0x38: {  	s19 =	simm.s32 $0x1  }
0x39: {  	_ =	swait.ge [sflag:s5], $0x4000;
	s19 =	simm.s32 @!p0 $0x0  }
0x3a: {  	[sflag:s5] =	ssyncset.done $0x0;
	s20 =	sshll.u32 s19, $0xE  }
0x3b: {  	[sflag:s5] =	ssyncadd.s32 $0xFFFFC000;
	s20 =	sor.u32 $0x40, s20  }
0x3c: {  	s19 =	smul.u32 $0x10200, s19;
	v0 =	vld [tilespmem:s20+$0x30]  }
0x3d: {  	v1 =	vld [tilespmem:s20+$0xFFFFFFD0]  }
0x3e: {  	s19 =	sshrl.u32 s19, $0x2;
	v5 =	vld [tilespmem:s20+$0xFFFFFFE0]  }
0x3f: {  	v6 =	vld [tilespmem:s20+$0xFFFFFFF0];
	s21 =	sor.u32 $0x8000, s19  }
0x40: {  	s31 =	sand.u32 $0x1, s14;
	v2 =	vld [tilespmem:s20+$0x0];
	s22 =	sadd.s32 $0x0, s21  }
0x41: {  	v3 =	vld [tilespmem:s20+$0x10];
	s19 =	smul.u32 $0x10200, s31;
	[tilespmem:s22+$0x3870 ss:$0x81] =	vst.msk $0xffff, v0  }
0x42: {  	v4 =	vld [tilespmem:s20+$0x20];
	[tilespmem:s22+$0x810 ss:$0x81] =	vst.msk $0xffff, v1  }
0x43: {  	s19 =	sshrl.u32 s19, $0x2;
	v0 =	vld [tilespmem:s20+$0xFFFFFFC0];
	[tilespmem:s22+$0x1020 ss:$0x81] =	vst.msk $0xffff, v5;
	s20 =	sadd.s32 $0x80, s20  }
0x44: {  	s23 =	simm.s32 $0x4;
	s24 =	simm.s32 $0x8;
	s19 =	sor.u32 $0x8000, s19;
	[tilespmem:s22+$0x1830 ss:$0x81] =	vst.msk $0xffff, v6;
	v1 =	vld [tilespmem:s20+$0x30]  }
.LBB1_3:
0x45: {  	p1 =	sne.s32 s24, $0x1FC;
	v5 =	vld [tilespmem:s20+$0xFFFFFFD0];
	[tilespmem:s22+$0x2040 ss:$0x81] =	vst.msk $0xffff, v2  }
0x46: {  	v6 =	vld [tilespmem:s20+$0xFFFFFFE0];
	[tilespmem:s22+$0x2850 ss:$0x81] =	vst.msk $0xffff, v3  }
0x47: {  	s25 =	sshra.s32 s23, $0x2;
	s23 =	smov.u32 s24;
	v7 =	vld [tilespmem:s20+$0xFFFFFFF0];
	[tilespmem:s22+$0x3060 ss:$0x81] =	vst.msk $0xffff, v4  }
.Ltmp3:
0x48: {  	v2 =	vld [tilespmem:s20+$0x0];
	[tilespmem:s22+$0x0 ss:$0x81] =	vst.msk $0xffff, v0;
	s22 =	sadd.s32 s25, s21;
	(pc) =	sbr.rel @p1 .LBB1_3-.Ltmp3, $4  }
0x49: {  	v3 =	vld [tilespmem:s20+$0x10];
	[tilespmem:s22+$0x3870 ss:$0x81] =	vst.msk $0xffff, v1  }
0x4a: {  	[tilespmem:s22+$0x810 ss:$0x81] =	vst.msk $0xffff, v5;
	v4 =	vld [tilespmem:s20+$0x20]  }
0x4b: {  	v0 =	vld [tilespmem:s20+$0xFFFFFFC0];
	[tilespmem:s22+$0x1020 ss:$0x81] =	vst.msk $0xffff, v6;
	s20 =	sadd.s32 $0x80, s20  }
0x4c: {  	s24 =	sadd.s32 $0x4, s24;
	v1 =	vld [tilespmem:s20+$0x30];
	[tilespmem:s22+$0x1830 ss:$0x81] =	vst.msk $0xffff, v7  }
.Ltmp4:
0x4d: {  	_ = 	snop;
	(pc) =	sbr.rel .LBB1_4-.Ltmp4, $1  }
0x4e: {  	_ =	sdelay $0x3  }
.LBB1_6:
0x4f: {  	_ =	sfence.sel $0x180000  }
0x50: {  	s2 =	simm.s32 $0x1;
	[bflag:$0x0] =	sbarrier.arrive $0xFFFF  }
0x51: {  	s31 =	simm.s32 $0x2;
	[sflag:s2] =	ssyncpa.u1 $0x1  }
0x52: {  	[sflag:s31] =	ssyncpa.u1 $0x1  }
0x53: {  	p0 =	sne.s32 s0, $0x0;
	_ =	strace $0x90000047  }
0x54: {  	s0 =	sadd.s32 @!p0 $0x100000, s1;
	[bflag:$0x2] =	sbarrier.arrive $0xFFFF  }
0x55: {  	[sflag:s0] =	ssyncadd.tile.s32 @!p0 $0x1;
	_ =	shalt  }
.Lfunc_end1:
_tile_overlayer_lowered:
.L_overlay_start_2:
0x56: {  	(tag) =	ssettag $0x2  }
0x57: {  	s0 =	rddreg [dreg:$0x0];
	s2 =	stileid.u32  }
0x58: {  	s1 =	rddreg [dreg:$0x1];
	p0 =	sne.s32 s2, $0x0  }
0x59: {  	s3 =	rddreg [dreg:$0x2];
	[bflag:$0x3] =	sbarrier.arrive $0xFFFF;
	s2 =	simm.s32 @!p0 $0x1C01  }
0x5a: {  	[timem:s3], [sflag:s2] =	dma.local @!p0 [hbm:s0], s1  }
0x5b: {  	s0 =	simm.s32 @!p0 $0x1  }
0x5c: {  	_ =	swait.ge @!p0 [sflag:s0], s1  }
0x5d: {  	s1 =	ssub.s32 @!p0 $0x0, s1;
	[sflag:s0] =	ssyncset.done @!p0 $0x0  }
0x5e: {  	[sflag:s0] =	ssyncadd.s32 @!p0 s1  }
0x5f: {  	[bflag:$0x3] =	sbarrier.arrive $0xFFFF  }
0x60: {  	_ =	shalt  }

</sc_bundles>
